<compile_context>
chip_gen: v7x
topology: tpu7x:2x2x1
jax: 0.10.2.dev20260603
libtpu: 0.0.44.dev20260713+nightly
codegen_flags: <defaults>
</compile_context>

<pallas_src>
import functools

import jax
import jax.numpy as jnp
from jax import lax
from jax.experimental import pallas as pl
from jax.experimental.pallas import tpu as pltpu
from jax.experimental.pallas import tpu_sc as plsc

_B, _N, _L, _K = 4, 8, 2048, 1024
_NC = 1


def _sc_gather_body(pe_hbm, rows_hbm, idx_v, rows_v, sem):
    wid = lax.axis_index("s") * _NC + lax.axis_index("c")

    @pl.when(wid == 0)
    def _():
        i = lax.iota(jnp.int32, 16)
        idx_v[...] = jnp.where(i == 0, 0, 1)
        pltpu.async_copy(pe_hbm.at[idx_v], rows_v, sem).wait()
        pltpu.sync_copy(rows_v, rows_hbm.at[:, 0])


_sc_gather = functools.partial(
    pl.kernel,
    mesh=plsc.VectorSubcoreMesh(core_axis_name="c", subcore_axis_name="s",
                                num_cores=_NC),
    out_type=jax.ShapeDtypeStruct((16, 1, _K), jnp.float32),
    scratch_types=[
        pltpu.VMEM((16,), jnp.int32),
        pltpu.VMEM((16, _K), jnp.float32),
        pltpu.SemaphoreType.DMA,
    ],
)(_sc_gather_body)


def _tc_add_body(x_ref, row_ref, o_ref):
    o_ref[...] = x_ref[...] + row_ref[...][None]


def _tc_fixup_body(x_ref, rows_ref, _prev_ref, o_ref):
    o_ref[...] = x_ref[...] + rows_ref[...][None]


def kernel(x, pe):
    rows = _sc_gather(pe)
    pe3 = pe.reshape(2, 1, _K)
    bulk = pl.pallas_call(
        _tc_add_body,
        grid=(_B, _N - 1),
        in_specs=[
            pl.BlockSpec((1, 1, _L, _K), lambda b, n: (b, n + 1, 0, 0)),
            pl.BlockSpec((1, 1, _K), lambda b, n: (1, 0, 0)),
        ],
        out_specs=pl.BlockSpec((1, 1, _L, _K), lambda b, n: (b, n + 1, 0, 0)),
        out_shape=jax.ShapeDtypeStruct((_B, _N, _L, _K), x.dtype),
    )(x, pe3)
    return pl.pallas_call(
        _tc_fixup_body,
        grid=(_B,),
        in_specs=[
            pl.BlockSpec((1, 1, _L, _K), lambda b: (b, 0, 0, 0)),
            pl.BlockSpec((1, 1, _K), lambda b: (0, 0, 0)),
            pl.BlockSpec(memory_space=pl.ANY),
        ],
        out_specs=pl.BlockSpec((1, 1, _L, _K), lambda b: (b, 0, 0, 0)),
        out_shape=jax.ShapeDtypeStruct((_B, _N, _L, _K), x.dtype),
        input_output_aliases={2: 0},
    )(x, rows, bulk)

# --- scband reference (transcript-rebuilt; emitter-appended) ---
"""Pipeline reference for scband-query-encoding-1580547971369 (READ-ONLY COPY).

The authoritative reference and input builder live on the scoring server;
editing this copy changes nothing except your own understanding.
"""

import jax, jax.numpy as jnp
import numpy as np


def setup_inputs(seed: int = 0) -> dict:
    key = jax.random.key(seed)
    k1, k2 = jax.random.split(key)
    x = jax.random.normal(k1, (4, 8, 2048, 1024), dtype=jnp.float32)
    pe = jax.random.normal(k2, (2, 1024), dtype=jnp.float32)
    return {"x": x, "pe": pe}


def reference(x, pe):
    B, N, L, _K = x.shape
    # idx = ones(B, N, L); idx[:, 0, :] = 0  (torch.long -> int32 index)
    idx = jnp.ones((B, N, L), dtype=jnp.int32)
    idx = idx.at[:, 0, :].set(0)
    # embedding lookup: pe[idx] -> [B, N, L, d_model]
    out = x + jnp.take(pe, idx, axis=0)
    return out

if __name__ == "__main__":
    import jax
    _d = setup_inputs()
    print(jax.jit(kernel)(*tuple(_d.values())))

</pallas_src>

<mosaic_0001>
#map = affine_map<(d0, d1) -> (0, 0)>
#map1 = affine_map<(d0, d1) -> (0, 0, 0)>
module attributes {stable_mosaic.version = 14 : i64} {
  func.func @_sc_gather_body(%arg0: i32, %arg1: i32, %arg2: memref<2x1024xf32, #tpu.memory_space<hbm>>, %arg3: memref<16x1x1024xf32, #tpu.memory_space<hbm>>, %arg4: memref<16xi32, #tpu.memory_space<vmem>>, %arg5: memref<16x1024xf32, #tpu.memory_space<vmem>>, %arg6: memref<!tpu.dma_semaphore, #tpu.memory_space<semaphore_mem>>) attributes {dimension_semantics = [#tpu.dimension_semantics<core_parallel>, #tpu.dimension_semantics<subcore_parallel>], iteration_bounds = array<i64: 1, 16>, scalar_prefetch = 0 : i64, scratch_operands = 3 : i64, tpu.core_type = #tpu.core_type<sc_vector_subcore>, window_params = [{transform_indices = #map}, {transform_indices = #map1}]} {
    %mul3A = arith.constant 1 : i32
    %mul3A_0 = arith.muli %arg1, %mul3A : i32
    %add3A = arith.addi %mul3A_0, %arg0 : i32
    %eq3A = arith.constant 0 : i32
    %eq3A_1 = arith.cmpi eq, %add3A, %eq3A : i32
    %convert_element_type3A = arith.extui %eq3A_1 : i1 to i32
    %cond3A = arith.constant 0 : i32
    %cond3A_2 = arith.cmpi ne, %convert_element_type3A, %cond3A : i32
    scf.if %cond3A_2 {
      %iota3A = tpu.iota {dimensions = array<i32: 0>} : vector<16xi32>
      %eq3A_3 = arith.constant 0 : i32
      %eq3A_4 = vector.broadcast %eq3A_3 : i32 to vector<16xi32>
      %eq3A_5 = arith.cmpi eq, %iota3A, %eq3A_4 : vector<16xi32>
      %jit3A = arith.constant 0 : i32
      %jit3A_6 = arith.constant 1 : i32
      %broadcast_in_dim3A = vector.broadcast %jit3A : i32 to vector<16xi32>
      %broadcast_in_dim3A_7 = vector.broadcast %jit3A_6 : i32 to vector<16xi32>
      %select_n3A = arith.select %eq3A_5, %broadcast_in_dim3A, %broadcast_in_dim3A_7 : vector<16xi1>, vector<16xi32>
      %swap3A = arith.constant 0 : index
      %swap3A_8 = tpu.vector_load %arg4[%swap3A] {strides = array<i32>} : memref<16xi32, #tpu.memory_space<vmem>>, vector<16xi32>,
      %swap3A_9 = vector.shape_cast %swap3A_8 : vector<16xi32> to vector<16xi32>
      %swap3A_10 = vector.shape_cast %select_n3A : vector<16xi32> to vector<16xi32>
      tpu.vector_store %arg4[%swap3A], %swap3A_10 {strides = array<i32>} : memref<16xi32, #tpu.memory_space<vmem>>, vector<16xi32>,
      %dma_start3A = arith.constant 0 : i32
      %dma_start3A_11 = arith.constant 0 : i32
      %dma_start3A_12 = tpu.memref_slice %arg2[%dma_start3A, %dma_start3A_11] : memref<2x1024xf32, #tpu.memory_space<hbm>> -> memref<2x1024xf32, #tpu.memory_space<hbm>>
      tpu.enqueue_indirect_dma source(%dma_start3A_12 : memref<2x1024xf32, #tpu.memory_space<hbm>>) target(%arg5 : memref<16x1024xf32, #tpu.memory_space<vmem>>) offsets(%arg4 : memref<16xi32, #tpu.memory_space<vmem>>) semaphore(%arg6 : memref<!tpu.dma_semaphore, #tpu.memory_space<semaphore_mem>>)
      %dma_wait3A = arith.constant 0 : i32
      %dma_wait3A_13 = arith.constant 0 : i32
      %dma_wait3A_14 = tpu.memref_slice %arg2[%dma_wait3A, %dma_wait3A_13] : memref<2x1024xf32, #tpu.memory_space<hbm>> -> memref<2x1024xf32, #tpu.memory_space<hbm>>
      tpu.wait_indirect_dma semaphore(%arg6 : memref<!tpu.dma_semaphore, #tpu.memory_space<semaphore_mem>>) src(%dma_wait3A_14 : memref<2x1024xf32, #tpu.memory_space<hbm>>) dst(%arg5 : memref<16x1024xf32, #tpu.memory_space<vmem>>)
      %run_scoped3A = arith.constant 0 : i32
      "tpu.region"() ({
        %run_scoped3A_15 = tpu.sem_alloc : memref<!tpu.dma_semaphore, #tpu.memory_space<semaphore_mem>>
        %dma_start3A_16 = arith.constant 0 : i32
        %dma_start3A_17 = arith.constant 0 : i32
        %dma_start3A_18 = tpu.memref_slice %arg3[%dma_start3A_16, %run_scoped3A, %dma_start3A_17] : memref<16x1x1024xf32, #tpu.memory_space<hbm>> -> memref<16x1x1024xf32, #tpu.memory_space<hbm>>
        %dma_start3A_19 = tpu.memref_squeeze %dma_start3A_18 : memref<16x1x1024xf32, #tpu.memory_space<hbm>> -> memref<16x1024xf32, #tpu.memory_space<hbm>>
        %dma_start3A_20 = arith.constant 0 : i32
        %dma_start3A_21 = arith.constant 0 : i32
        %dma_start3A_22 = tpu.memref_slice %arg3[%dma_start3A_20, %run_scoped3A, %dma_start3A_21] : memref<16x1x1024xf32, #tpu.memory_space<hbm>> -> memref<16x1x1024xf32, #tpu.memory_space<hbm>>
        %dma_start3A_23 = tpu.memref_squeeze %dma_start3A_22 : memref<16x1x1024xf32, #tpu.memory_space<hbm>> -> memref<16x1024xf32, #tpu.memory_space<hbm>>
        tpu.enqueue_dma source(%arg5 : memref<16x1024xf32, #tpu.memory_space<vmem>>) target(%dma_start3A_23 : memref<16x1024xf32, #tpu.memory_space<hbm>>) target_semaphore(%run_scoped3A_15 : memref<!tpu.dma_semaphore, #tpu.memory_space<semaphore_mem>>)
        %dma_wait3A_24 = arith.constant 0 : i32
        %dma_wait3A_25 = arith.constant 0 : i32
        %dma_wait3A_26 = tpu.memref_slice %arg3[%dma_wait3A_24, %run_scoped3A, %dma_wait3A_25] : memref<16x1x1024xf32, #tpu.memory_space<hbm>> -> memref<16x1x1024xf32, #tpu.memory_space<hbm>>
        %dma_wait3A_27 = tpu.memref_squeeze %dma_wait3A_26 : memref<16x1x1024xf32, #tpu.memory_space<hbm>> -> memref<16x1024xf32, #tpu.memory_space<hbm>>
        %dma_wait3A_28 = arith.constant 0 : i32
        %dma_wait3A_29 = arith.constant 0 : i32
        %dma_wait3A_30 = tpu.memref_slice %arg3[%dma_wait3A_28, %run_scoped3A, %dma_wait3A_29] : memref<16x1x1024xf32, #tpu.memory_space<hbm>> -> memref<16x1x1024xf32, #tpu.memory_space<hbm>>
        %dma_wait3A_31 = tpu.memref_squeeze %dma_wait3A_30 : memref<16x1x1024xf32, #tpu.memory_space<hbm>> -> memref<16x1024xf32, #tpu.memory_space<hbm>>
        tpu.wait_dma2 semaphore(%run_scoped3A_15 : memref<!tpu.dma_semaphore, #tpu.memory_space<semaphore_mem>>) src(%arg5 : memref<16x1024xf32, #tpu.memory_space<vmem>>) dst(%dma_wait3A_31 : memref<16x1024xf32, #tpu.memory_space<hbm>>)
        tpu.yield
      }) : () -> ()
    } else {
    }
    return
  }
}

module attributes {stable_mosaic.version = 14 : i64} {
  func.func @_tc_fixup_body(%arg0: i32, %arg1: memref<1x1x2048x1024xf32, #tpu.memory_space<vmem>>, %arg2: memref<1x1x1024xf32, #tpu.memory_space<vmem>>, %arg3: memref<4x8x2048x1024xf32, #tpu.memory_space<any>>, %arg4: memref<1x1x2048x1024xf32, #tpu.memory_space<vmem>>) attributes {dimension_semantics = [#tpu.dimension_semantics<arbitrary>], iteration_bounds = array<i64: 4>, scalar_prefetch = 0 : i64, scratch_operands = 0 : i64, tpu.core_type = #tpu.core_type<tc>, window_params = [{transform_indices = @transform_0, window_bounds = array<i64: 1, 1, 2048, 1024>}, {transform_indices = @transform_1, window_bounds = array<i64: 1, 1, 1024>}, {}, {transform_indices = @transform_3, window_bounds = array<i64: 1, 1, 2048, 1024>}]} {
    %get3A = arith.constant 0 : index
    %get3A_0 = arith.constant 0 : index
    %get3A_1 = arith.constant 0 : index
    %get3A_2 = arith.constant 0 : index
    %get3A_3 = vector.load %arg1[%get3A, %get3A_0, %get3A_1, %get3A_2] : memref<1x1x2048x1024xf32, #tpu.memory_space<vmem>>, vector<1x1x2048x1024xf32>
    %get3A_4 = arith.constant 0 : index
    %get3A_5 = arith.constant 0 : index
    %get3A_6 = arith.constant 0 : index
    %get3A_7 = vector.load %arg2[%get3A_4, %get3A_5, %get3A_6] : memref<1x1x1024xf32, #tpu.memory_space<vmem>>, vector<1x1x1024xf32>
    %broadcast_in_dim3A = vector.shape_cast %get3A_7 : vector<1x1x1024xf32> to vector<1x1x1x1024xf32>
    %add3A = vector.broadcast %broadcast_in_dim3A : vector<1x1x1x1024xf32> to vector<1x1x2048x1024xf32>
    %add3A_8 = arith.addf %get3A_3, %add3A : vector<1x1x2048x1024xf32>
    %swap3A = arith.constant 0 : index
    %swap3A_9 = arith.constant 0 : index
    %swap3A_10 = arith.constant 0 : index
    %swap3A_11 = arith.constant 0 : index
    %swap3A_12 = vector.load %arg4[%swap3A, %swap3A_9, %swap3A_10, %swap3A_11] : memref<1x1x2048x1024xf32, #tpu.memory_space<vmem>>, vector<1x1x2048x1024xf32>
    tpu.vector_store %arg4[%swap3A, %swap3A_9, %swap3A_10, %swap3A_11], %add3A_8 {strides = array<i32>} : memref<1x1x2048x1024xf32, #tpu.memory_space<vmem>>, vector<1x1x2048x1024xf32>,
    return
  }
  func.func @transform_0(%arg0: i32) -> (i32, i32, i32, i32) {
    %c0_i32 = arith.constant 0 : i32
    %c0_i32_0 = arith.constant 0 : i32
    %c0_i32_1 = arith.constant 0 : i32
    %c0_i32_2 = arith.constant 0 : i32
    return %arg0, %c0_i32, %c0_i32_0, %c0_i32_1 : i32, i32, i32, i32
  }
  func.func @transform_1(%arg0: i32) -> (i32, i32, i32) {
    %c0_i32 = arith.constant 0 : i32
    %c0_i32_0 = arith.constant 0 : i32
    %c0_i32_1 = arith.constant 0 : i32
    %c0_i32_2 = arith.constant 0 : i32
    return %c0_i32, %c0_i32_0, %c0_i32_1 : i32, i32, i32
  }
  func.func @transform_3(%arg0: i32) -> (i32, i32, i32, i32) {
    %c0_i32 = arith.constant 0 : i32
    %c0_i32_0 = arith.constant 0 : i32
    %c0_i32_1 = arith.constant 0 : i32
    %c0_i32_2 = arith.constant 0 : i32
    return %arg0, %c0_i32, %c0_i32_0, %c0_i32_1 : i32, i32, i32, i32
  }
}

module attributes {stable_mosaic.version = 14 : i64} {
  func.func @_tc_add_body(%arg0: i32, %arg1: i32, %arg2: memref<1x1x2048x1024xf32, #tpu.memory_space<vmem>>, %arg3: memref<1x1x1024xf32, #tpu.memory_space<vmem>>, %arg4: memref<1x1x2048x1024xf32, #tpu.memory_space<vmem>>) attributes {dimension_semantics = [#tpu.dimension_semantics<arbitrary>, #tpu.dimension_semantics<arbitrary>], iteration_bounds = array<i64: 4, 7>, scalar_prefetch = 0 : i64, scratch_operands = 0 : i64, tpu.core_type = #tpu.core_type<tc>, window_params = [{transform_indices = @transform_0, window_bounds = array<i64: 1, 1, 2048, 1024>}, {transform_indices = @transform_1, window_bounds = array<i64: 1, 1, 1024>}, {transform_indices = @transform_2, window_bounds = array<i64: 1, 1, 2048, 1024>}]} {
    %get3A = arith.constant 0 : index
    %get3A_0 = arith.constant 0 : index
    %get3A_1 = arith.constant 0 : index
    %get3A_2 = arith.constant 0 : index
    %get3A_3 = vector.load %arg2[%get3A, %get3A_0, %get3A_1, %get3A_2] : memref<1x1x2048x1024xf32, #tpu.memory_space<vmem>>, vector<1x1x2048x1024xf32>
    %get3A_4 = arith.constant 0 : index
    %get3A_5 = arith.constant 0 : index
    %get3A_6 = arith.constant 0 : index
    %get3A_7 = vector.load %arg3[%get3A_4, %get3A_5, %get3A_6] : memref<1x1x1024xf32, #tpu.memory_space<vmem>>, vector<1x1x1024xf32>
    %broadcast_in_dim3A = vector.shape_cast %get3A_7 : vector<1x1x1024xf32> to vector<1x1x1x1024xf32>
    %add3A = vector.broadcast %broadcast_in_dim3A : vector<1x1x1x1024xf32> to vector<1x1x2048x1024xf32>
    %add3A_8 = arith.addf %get3A_3, %add3A : vector<1x1x2048x1024xf32>
    %swap3A = arith.constant 0 : index
    %swap3A_9 = arith.constant 0 : index
    %swap3A_10 = arith.constant 0 : index
    %swap3A_11 = arith.constant 0 : index
    %swap3A_12 = vector.load %arg4[%swap3A, %swap3A_9, %swap3A_10, %swap3A_11] : memref<1x1x2048x1024xf32, #tpu.memory_space<vmem>>, vector<1x1x2048x1024xf32>
    tpu.vector_store %arg4[%swap3A, %swap3A_9, %swap3A_10, %swap3A_11], %add3A_8 {strides = array<i32>} : memref<1x1x2048x1024xf32, #tpu.memory_space<vmem>>, vector<1x1x2048x1024xf32>,
    return
  }
  func.func @transform_0(%arg0: i32, %arg1: i32) -> (i32, i32, i32, i32) {
    %add3A = arith.constant 1 : i32
    %add3A_0 = arith.addi %arg1, %add3A : i32
    %c0_i32 = arith.constant 0 : i32
    %c0_i32_1 = arith.constant 0 : i32
    %c0_i32_2 = arith.constant 0 : i32
    return %arg0, %add3A_0, %c0_i32, %c0_i32_1 : i32, i32, i32, i32
  }
  func.func @transform_1(%arg0: i32, %arg1: i32) -> (i32, i32, i32) {
    %c1_i32 = arith.constant 1 : i32
    %c0_i32 = arith.constant 0 : i32
    %c0_i32_0 = arith.constant 0 : i32
    %c0_i32_1 = arith.constant 0 : i32
    return %c1_i32, %c0_i32, %c0_i32_0 : i32, i32, i32
  }
  func.func @transform_2(%arg0: i32, %arg1: i32) -> (i32, i32, i32, i32) {
    %add3A = arith.constant 1 : i32
    %add3A_0 = arith.addi %arg1, %add3A : i32
    %c0_i32 = arith.constant 0 : i32
    %c0_i32_1 = arith.constant 0 : i32
    %c0_i32_2 = arith.constant 0 : i32
    return %arg0, %add3A_0, %c0_i32, %c0_i32_1 : i32, i32, i32, i32
  }
}

</mosaic_0001>

<sc_bundles>
// kernel: kernel.5.cloned.1.call-start
scs
__scs_entry_jumppad:
0x0: {  	(pc) =	sbr.rel $0x88, $3  }
0x1: {  	(tag) =	ssettag $0x0;
	lr =	simm.s32 $0x1  }
0x2: {  	[smem:$0x3F9F] =	sst lr;
	_ =	strace $0xD0000000  }
0x3: {  	_ = 	snop  }
0x4: {  	_ = 	snop  }
0x5: {  	_ = 	snop  }
0x6: {  	_ = 	snop  }
0x7: {  	_ = 	snop  }
__scs_overlays_trampoline_lowered:
0x8: {  	[smem:$0x3FAE] =	sst s0  }
0x9: {  	[smem:$0x3FAF] =	sst s1  }
0xa: {  	[smem:$0x3FB0] =	sst s2  }
0xb: {  	[smem:$0x3FB1] =	sst s3  }
0xc: {  	[smem:$0x3FB2] =	sst s4  }
0xd: {  	[smem:$0x3FB3] =	sst s5  }
0xe: {  	[smem:$0x3FB4] =	sst s6  }
0xf: {  	[smem:$0x3FB5] =	sst s7  }
0x10: {  	[smem:$0x3FB6] =	sst s8  }
0x11: {  	[smem:$0x3FB7] =	sst s9;
	s0 =	simm.s32 @!p0 $0x0  }
0x12: {  	s1 =	sld [smem:$0x3F9D];
	s0 =	simm.s32 @p0 $0x1  }
0x13: {  	[smem:$0x3FB8] =	sst s0;
	s0 =	simm.s32 @!p1 $0x0  }
0x14: {  	s2 =	sld [smem:$0x3F9C];
	s0 =	simm.s32 @p1 $0x1  }
0x15: {  	[smem:$0x3FB9] =	sst s0;
	s0 =	simm.s32 @!p2 $0x0  }
0x16: {  	s3 =	sld [smem:$0x3FDB];
	s0 =	simm.s32 @p2 $0x1  }
0x17: {  	s4 =	simm.s32 $0x1BF5;
	[smem:$0x3FBB] =	sst s0  }
0x18: {  	s0 =	sld [smem:$0x3F9E];
	_ =	swait.ge [sflag:s4], $0x0  }
0x19: {  	s7 =	sld [smem:$0x3F9F]  }
0x1a: {  	s8 =	sadd.s32 $0xFFFFE003, lr  }
0x1b: {  	s9 =	sadd.s32 $0xFFFFFEF7, lr;
	s5 =	simm.s32 $0xFFFFFFFF;
	p2 =	slt.u32 s8, $0xFFFFF086  }
0x1c: {  	p1 =	slt.u32 s9, $0xF7A;
	s5 =	simm.s32 @!p2 $0x0  }
0x1d: {  	s5 =	simm.s32 @p1 $0x1;
	p0 =	seq.s32 s7, s2  }
0x1e: {  	s7 =	smul.u32 @!p0 $0xF7A, s2;
	p2 =	seq.s32 @!p0 s5, $0x0  }
0x1f: {  	s9 =	smul.u32 $0xF7A, s1;
	s8 =	simm.s32 @!p0 $0x1BF5;
	p2 =	por !p2, p0  }
0x20: {  	[sflag:s8] =	ssyncset.s32 @!p0 $0xFFFFF086;
	s6 =	sadd.s32 @!p0 s3, s7;
	s7 =	simm.s32 @!p0 $0x108  }
0x21: {  	s3 =	sadd.s32 s3, s9;
	s6 =	sadd.s32 @!p0 $0x88, s6;
	s7 =	simm.s32 @p2 $0x1082  }
0x22: {  	[simem:s7], [sflag:s8] =	dma.local @!p0 [hbm:s6], $0xF7A  }
0x23: {  	s9 =	sor.u32 $0xD0000000, s2;
	s6 =	simm.s32 $0x108;
	_ =	swait.ge @!p0 [sflag:s8], $0x0  }
0x24: {  	s3 =	sadd.s32 $0x88, s3;
	s6 =	simm.s32 @!p1 $0x1082;
	[sflag:s4] =	ssyncset.s32 $0xFFFFF086  }
0x25: {  	[simem:s6], [sflag:s4] =	dma.local [hbm:s3], $0xF7A  }
0x26: {  	[smem:$0x3F9F] =	sst s1;
	(tag) =	ssettag s2;
	_ =	strace s9  }
0x27: {  	s1 =	sld [smem:$0x3FAF]  }
0x28: {  	s2 =	sld [smem:$0x3FB0]  }
0x29: {  	s4 =	sld [smem:$0x3FB2]  }
0x2a: {  	p0 =	seq.s32 s5, $0x0;
	s5 =	sld [smem:$0x3FB3]  }
0x2b: {  	s6 =	sld [smem:$0x3FB4]  }
0x2c: {  	s7 =	sld [smem:$0x3FB5]  }
0x2d: {  	s3 =	simm.s32 $0x108;
	s8 =	sld [smem:$0x3FB6]  }
0x2e: {  	s3 =	simm.s32 @!p0 $0x1082;
	s9 =	sld [smem:$0x3FB7]  }
0x2f: {  	lr =	sadd.s32 s0, s3;
	s0 =	sld [smem:$0x3FAE]  }
0x30: {  	s3 =	sld [smem:$0x3FB1]  }
0x31: {  	[smem:$0x3FBA] =	sst s10  }
0x32: {  	s10 =	sld [smem:$0x3FB8];
	_ =	sdelay $0x3  }
0x33: {  	p0 =	seq.s32 s10, $0x1;
	s10 =	sld [smem:$0x3FBA];
	_ =	sdelay $0x3  }
0x34: {  	[smem:$0x3FBA] =	sst s10  }
0x35: {  	s10 =	sld [smem:$0x3FB9];
	_ =	sdelay $0x3  }
0x36: {  	p1 =	seq.s32 s10, $0x1;
	s10 =	sld [smem:$0x3FBA];
	_ =	sdelay $0x3  }
0x37: {  	[smem:$0x3FBA] =	sst s10  }
0x38: {  	s10 =	sld [smem:$0x3FBB]  }
0x39: {  	_ = 	snop;
	(pc) =	sbr.ind lr, $3  }
0x3a: {  	_ = 	snop  }
0x3b: {  	_ = 	snop  }
0x3c: {  	p2 =	seq.s32 s10, $0x1;
	s10 =	sld [smem:$0x3FBA]  }
0x3d: {  	_ =	shalt  }
0x3e: {  	_ =	shalt  }
0x3f: {  	_ =	shalt  }
0x40: {  	_ =	shalt  }
0x41: {  	_ =	shalt  }
0x42: {  	_ =	shalt  }
0x43: {  	_ =	shalt  }
0x44: {  	_ =	shalt  }
0x45: {  	_ =	shalt  }
0x46: {  	_ =	shalt  }
0x47: {  	_ =	shalt  }
0x48: {  	_ =	shalt  }
0x49: {  	_ =	shalt  }
0x4a: {  	_ =	shalt  }
0x4b: {  	_ =	shalt  }
0x4c: {  	_ =	shalt  }
0x4d: {  	_ =	shalt  }
0x4e: {  	_ =	shalt  }
0x4f: {  	_ =	shalt  }
0x50: {  	_ =	shalt  }
0x51: {  	_ =	shalt  }
0x52: {  	_ =	shalt  }
0x53: {  	_ =	shalt  }
0x54: {  	_ =	shalt  }
0x55: {  	_ =	shalt  }
0x56: {  	_ =	shalt  }
0x57: {  	_ =	shalt  }
0x58: {  	_ =	shalt  }
0x59: {  	_ =	shalt  }
0x5a: {  	_ =	shalt  }
0x5b: {  	_ =	shalt  }
0x5c: {  	_ =	shalt  }
0x5d: {  	_ =	shalt  }
0x5e: {  	_ =	shalt  }
0x5f: {  	_ =	shalt  }
0x60: {  	_ =	shalt  }
0x61: {  	_ =	shalt  }
0x62: {  	_ =	shalt  }
0x63: {  	_ =	shalt  }
0x64: {  	_ =	shalt  }
0x65: {  	_ =	shalt  }
0x66: {  	_ =	shalt  }
0x67: {  	_ =	shalt  }
0x68: {  	_ =	shalt  }
0x69: {  	_ =	shalt  }
0x6a: {  	_ =	shalt  }
0x6b: {  	_ =	shalt  }
0x6c: {  	_ =	shalt  }
0x6d: {  	_ =	shalt  }
0x6e: {  	_ =	shalt  }
0x6f: {  	_ =	shalt  }
0x70: {  	_ =	shalt  }
0x71: {  	_ =	shalt  }
0x72: {  	_ =	shalt  }
0x73: {  	_ =	shalt  }
0x74: {  	_ =	shalt  }
0x75: {  	_ =	shalt  }
0x76: {  	_ =	shalt  }
0x77: {  	_ =	shalt  }
0x78: {  	_ =	shalt  }
0x79: {  	_ =	shalt  }
0x7a: {  	_ =	shalt  }
0x7b: {  	_ =	shalt  }
0x7c: {  	_ =	shalt  }
0x7d: {  	_ =	shalt  }
0x7e: {  	_ =	shalt  }
0x7f: {  	_ =	shalt  }
0x80: {  	_ =	shalt  }
0x81: {  	_ =	shalt  }
0x82: {  	_ =	shalt  }
0x83: {  	_ =	shalt  }
0x84: {  	_ =	shalt  }
0x85: {  	_ =	shalt  }
0x86: {  	_ =	shalt  }
0x87: {  	_ =	shalt  }
.Lfunc_end0:
.L_simem_size_0:
called_computation_lowered:
.L_overlay_start_0:
0x88: {  	s0 =	sld [smem:$0x3FD9]  }
0x89: {  	s1 =	sld [smem:$0x3FFE];
	_ =	sdelay $0x3  }
0x8a: {  	s0 =	sadd.s32 s1, s0  }
0x8b: {  	[smem:$0x3FC6] =	sst s0  }
0x8c: {  	_ = 	snop  }
0x8d: {  	s0 =	sld [smem:$0x3FC8];
	(tm) =	ssettm $0x1  }
0x8e: {  	s16 =	sld [smem:$0x3FFB];
	_ =	sdelay $0x3  }
0x8f: {  	_ =	strace s16  }
0x90: {  	s1 =	sld [smem:$0x3FFC];
	_ =	sdelay $0x3  }
0x91: {  	_ =	strace s1  }
0x92: {  	s1 =	sld [smem:$0x3FFD];
	_ =	sdelay $0x3  }
0x93: {  	_ =	strace s1  }
0x94: {  	_ =	strace $0x8FFFFFFF  }
0x95: {  	s17 =	sld [smem:$0x3FDB];
	_ =	sdelay $0x1  }
0x96: {  	s2 =	simm.s32 $_scs_section_size  }
0x97: {  	s3 =	simm.s32 $_size__tile_overlayer_lowered;
	s4 =	simm.s32 $_tile_overlayer_lowered  }
0x98: {  	s20 =	simm.s32 $0x1BFF;
	s19 =	sshll.u32 s4, $0x1;
	s1 =	sadd.s32 s2, s17  }
0x99: {  	s5 =	simm.s32 $0x0;
	s18 =	sshll.u32 s3, $0x1;
	s3 =	sadd.s32 s19, s1  }
0x9a: {  	[timem:s5], [sflag:s20] =	dma.local [hbm:s3], s18  }
0x9b: {  	_ =	swait.ge [sflag:s20], s18  }
0x9c: {  	s2 =	ssub.s32 $0x0, s18;
	[sflag:s20] =	ssyncset.done $0x0  }
0x9d: {  	[sflag:s20] =	ssyncadd.s32 s2;
	_ =	sdelay $0x1  }
0x9e: {  	s21 =	simm.s32 $0x1B8B  }
0x9f: {  	_ =	swait.ge [sflag:s21], $0x1  }
0xa0: {  	[sflag:s21] =	ssyncset.done $0x0  }
0xa1: {  	s23 =	simm.s32 $0x1B8E;
	s22 =	sld [smem:$0x3FFE];
	[sflag:s21] =	ssyncadd.s32 $0xFFFFFFFF  }
0xa2: {  	s24 =	simm.s32 $execute0_lowered;
	[smem:$0x3FD2] =	sst s23  }
0xa3: {  	s3 =	sshll.u32 s24, $0x1;
	_ =	strace $0x80000046;
	[dreg:$0x1] =	wrdreg $0xFFFFFFFF  }
0xa4: {  	s25 =	simm.s32 $_size_execute0_lowered;
	s1 =	sadd.s32 s1, s3;
	[dreg:$0x0] =	wrdreg $0x0  }
0xa5: {  	s3 =	sshll.u32 s25, $0x1;
	[dreg:$0x2] =	wrdreg s1  }
0xa6: {  	[dreg:$0x3] =	wrdreg s3  }
0xa7: {  	[dreg:$0x4] =	wrdreg $0xC0  }
0xa8: {  	_ =	task [dreg:s5], $0x5FFFF  }
0xa9: {  	[dreg:$0x1] =	wrdreg $0xFFFFFFFF  }
0xaa: {  	[dreg:$0x0] =	wrdreg $0x60  }
0xab: {  	[dreg:$0x2] =	wrdreg s0  }
0xac: {  	[dreg:$0x3] =	wrdreg s22  }
0xad: {  	[dreg:$0x4] =	wrdreg $0x9  }
0xae: {  	_ =	task.clear_ibuf [dreg:s5], $0x5FFFF;
	_ =	strace $0x90000046  }
0xaf: {  	s26 =	simm.s32 $0x9;
	_ =	strace $0x80000048  }
0xb0: {  	_ =	swait.ge [sflag:s26], $0x1  }
0xb1: {  	[sflag:s26] =	ssyncadd.s32 $0xFFFFFFFF  }
0xb2: {  	_ =	strace $0x90000048  }
0xb3: {  	_ =	sfence  }
0xb4: {  	s28 =	sld [smem:$0x0];
	_ =	sdelay $0x1  }
0xb5: {  	s29 =	srdreg.scid  }
0xb6: {  	s30 =	sshll.u32 s29, $0xD;
	s31 =	sshrl.u32 s29, $0x2  }
0xb7: {  	s2 =	sand.u32 $0x4000, s30;
	s1 =	sand.u32 $0x1, s29;
	s0 =	sadd.s32 s31, s28  }
0xb8: {  	s1 =	sor.u32 s2, s1;
	s0 =	sshll.u32 s0, $0x11  }
0xb9: {  	s0 =	sor.u32 s0, s1  }
0xba: {  	s0 =	sadd.s32 $0x8F2B, s0  }
0xbb: {  	[sflag:s0] =	ssyncadd.remote.s32 $0x1  }
0xbc: {  	_ =	sfence.sel $0xFFFF  }
0xbd: {  	[dreg:$0x0] =	wrdreg $0xFFFFFFFF;
	(pc) =	sbr.abs _section_cstart, $3  }
0xbe: {  	[dreg:$0x1] =	wrdreg $0xFFFFFFFF  }
0xbf: {  	_ =	task.clear_ibuf [dreg:s5], $0x2FFFF;
	_ =	strace $0x9FFFFFFF  }
0xc0: {  	(tm) =	ssettm $0x7FFFFFFF  }
0xc1: {  	_ =	shalt  }
tec
execute0_lowered:
.L_overlay_start_1:
0x0: {  	(tag) =	ssettag $0x1  }
0x1: {  	s4 =	rddreg [dreg:$0x0]  }
0x2: {  	s2 =	rddreg [dreg:$0x1];
	s3 =	simm.s32 $0x0  }
0x3: {  	s1 =	stileid.u32;
	[smem:$0x7FF] =	sst s3  }
0x4: {  	s0 =	rddreg [dreg:$0x2];
	p0 =	sne.s32 s1, $0x0;
	_ =	strace $0x80000047  }
0x5: {  	_ =	sfence.sel @p0 $0x180000  }
0x6: {  	[bflag:$0x0] =	sbarrier.arrive @p0 $0xFFFF  }
0x7: {  	_ =	strace @p0 $0x90000047  }
0x8: {  	[bflag:$0x2] =	sbarrier.arrive @p0 $0xFFFF  }
0x9: {  	_ =	shalt @p0  }
.LBB2_1:
0xa: {  	v0 =	vimm.s32 $0x1;
	vm0 =	vcmask $0x300;
	v1 =	vlaneseq.u32  }
0xb: {  	v0 =	vsel vm0, $0x0, v0;
	v2 =	vand.u32 $0x7, v1;
	v3 =	vshrl.u32 v1, $0x3  }
0xc: {  	v2 =	vperm.xlane v0, v2;
	v3 =	vmul.u32 $0x2, v3;
	_ =	sdelay $0x1  }
0xd: {  	v2 =	vadd.s32 v3, v2;
	_ =	sdelay $0x3  }
0xe: {  	vm15 =	vmmov $0xffff;
	s1 =	simm.s32 $0x80;
	[tilespmem:$0x0] =	vst v0  }
0xf: {  	v1 =	vor.u32 $0x8, v1;
	[tilespmem:s1], [sflag:$0x1] =	stream.indirect_vreg.gather [hbm4b:s4+s3], $0x80, v2, vm15, $0xb8;
	[tilespmem:$0x4080] =	vst v63  }
0x10: {  	s5 =	sadd.s32 $0x40, s4;
	s6 =	simm.s32 $0x880;
	v0 =	vperm.xlane v0, v1  }
0x11: {  	[tilespmem:s6], [sflag:$0x1] =	stream.indirect_vreg.gather [hbm4b:s5+s3], $0x80, v2, vm15, $0xb8;
	[tilespmem:$0x4080] =	vst v63  }
0x12: {  	s7 =	sadd.s32 $0x80, s4;
	s8 =	simm.s32 $0x1080;
	v0 =	vadd.s32 v3, v0  }
0x13: {  	[tilespmem:s8], [sflag:$0x1] =	stream.indirect_vreg.gather [hbm4b:s7+s3], $0x80, v2, vm15, $0xb8;
	[tilespmem:$0x4080] =	vst v63  }
0x14: {  	s9 =	sadd.s32 $0xC0, s4;
	s10 =	simm.s32 $0x1880  }
0x15: {  	[tilespmem:s10], [sflag:$0x1] =	stream.indirect_vreg.gather [hbm4b:s9+s3], $0x80, v2, vm15, $0xb8;
	[tilespmem:$0x4080] =	vst v63  }
0x16: {  	s11 =	simm.s32 $0x2080  }
0x17: {  	[tilespmem:s11], [sflag:$0x1] =	stream.indirect_vreg.gather [hbm4b:s4+s3], $0x80, v0, vm15, $0xb8;
	[tilespmem:$0x4080] =	vst v63  }
0x18: {  	s26 =	simm.s32 $0x2880  }
0x19: {  	[tilespmem:s26], [sflag:$0x1] =	stream.indirect_vreg.gather [hbm4b:s5+s3], $0x80, v0, vm15, $0xb8;
	[tilespmem:$0x4080] =	vst v63  }
0x1a: {  	s28 =	simm.s32 $0x3080  }
0x1b: {  	[tilespmem:s28], [sflag:$0x1] =	stream.indirect_vreg.gather [hbm4b:s7+s3], $0x80, v0, vm15, $0xb8;
	[tilespmem:$0x4080] =	vst v63  }
0x1c: {  	s29 =	simm.s32 $0x1;
	s7 =	simm.s32 $0x3880  }
0x1d: {  	[tilespmem:s7], [sflag:$0x1] =	stream.indirect_vreg.gather [hbm4b:s9+s3], $0x80, v0, vm15, $0xb8;
	[tilespmem:$0x4080] =	vst v63  }
0x1e: {  	_ =	swait.ge [sflag:s29], $0x4000  }
0x1f: {  	[sflag:s29] =	ssyncset.done $0x0  }
0x20: {  	s2 =	sadd.s32 $0x600, s2;
	s3 =	simm.s32 $0x400;
	[sflag:s29] =	ssyncadd.s32 $0xFFFFC000  }
0x21: {  	[hbm4b:s2+s1] =	stream.strided.scatter [tilespmem:s1], [sflag:$0x2], $0x400, s3, s1, $0x38;
	[tilespmem:$0x4080] =	vst v63  }
0x22: {  	s12 =	simm.s32 $0x480;
	s30 =	sadd.s32 $0x10, s2  }
0x23: {  	[hbm4b:s30+s1] =	stream.strided.scatter [tilespmem:s12], [sflag:$0x2], $0x400, s3, s1, $0x38;
	[tilespmem:$0x4080] =	vst v63  }
0x24: {  	s31 =	sadd.s32 $0x20, s2  }
0x25: {  	[hbm4b:s31+s1] =	stream.strided.scatter [tilespmem:s6], [sflag:$0x2], $0x400, s3, s1, $0x38;
	[tilespmem:$0x4080] =	vst v63  }
0x26: {  	s9 =	sadd.s32 $0x30, s2;
	s12 =	simm.s32 $0xC80  }
0x27: {  	[hbm4b:s9+s1] =	stream.strided.scatter [tilespmem:s12], [sflag:$0x2], $0x400, s3, s1, $0x38;
	[tilespmem:$0x4080] =	vst v63  }
0x28: {  	s13 =	sadd.s32 $0x40, s2  }
0x29: {  	[hbm4b:s13+s1] =	stream.strided.scatter [tilespmem:s8], [sflag:$0x2], $0x400, s3, s1, $0x38;
	[tilespmem:$0x4080] =	vst v63  }
0x2a: {  	s15 =	simm.s32 $0x1480;
	s14 =	sadd.s32 $0x50, s2  }
0x2b: {  	[hbm4b:s14+s1] =	stream.strided.scatter [tilespmem:s15], [sflag:$0x2], $0x400, s3, s1, $0x38;
	[tilespmem:$0x4080] =	vst v63  }
0x2c: {  	s16 =	sadd.s32 $0x60, s2  }
0x2d: {  	[hbm4b:s16+s1] =	stream.strided.scatter [tilespmem:s10], [sflag:$0x2], $0x400, s3, s1, $0x38;
	[tilespmem:$0x4080] =	vst v63  }
0x2e: {  	s18 =	simm.s32 $0x1C80;
	s17 =	sadd.s32 $0x70, s2  }
0x2f: {  	[hbm4b:s17+s1] =	stream.strided.scatter [tilespmem:s18], [sflag:$0x2], $0x400, s3, s1, $0x38;
	[tilespmem:$0x4080] =	vst v63  }
0x30: {  	s19 =	sadd.s32 $0x400, s2  }
0x31: {  	[hbm4b:s19+s1] =	stream.strided.scatter [tilespmem:s11], [sflag:$0x2], $0x400, s3, s1, $0x38;
	[tilespmem:$0x4080] =	vst v63  }
0x32: {  	s21 =	simm.s32 $0x2480;
	s20 =	sadd.s32 $0x410, s2  }
0x33: {  	[hbm4b:s20+s1] =	stream.strided.scatter [tilespmem:s21], [sflag:$0x2], $0x400, s3, s1, $0x38;
	[tilespmem:$0x4080] =	vst v63  }
0x34: {  	s22 =	sadd.s32 $0x420, s2  }
0x35: {  	[hbm4b:s22+s1] =	stream.strided.scatter [tilespmem:s26], [sflag:$0x2], $0x400, s3, s1, $0x38;
	[tilespmem:$0x4080] =	vst v63  }
0x36: {  	s24 =	simm.s32 $0x2C80;
	s23 =	sadd.s32 $0x430, s2  }
0x37: {  	[hbm4b:s23+s1] =	stream.strided.scatter [tilespmem:s24], [sflag:$0x2], $0x400, s3, s1, $0x38;
	[tilespmem:$0x4080] =	vst v63  }
0x38: {  	s25 =	sadd.s32 $0x440, s2  }
0x39: {  	[hbm4b:s25+s1] =	stream.strided.scatter [tilespmem:s28], [sflag:$0x2], $0x400, s3, s1, $0x38;
	[tilespmem:$0x4080] =	vst v63  }
0x3a: {  	s26 =	sadd.s32 $0x450, s2;
	s28 =	simm.s32 $0x3480  }
0x3b: {  	[hbm4b:s26+s1] =	stream.strided.scatter [tilespmem:s28], [sflag:$0x2], $0x400, s3, s1, $0x38;
	[tilespmem:$0x4080] =	vst v63  }
0x3c: {  	s29 =	sadd.s32 $0x460, s2  }
0x3d: {  	[hbm4b:s29+s1] =	stream.strided.scatter [tilespmem:s7], [sflag:$0x2], $0x400, s3, s1, $0x38;
	[tilespmem:$0x4080] =	vst v63  }
0x3e: {  	s30 =	simm.s32 $0x3C80;
	s31 =	simm.s32 $0x2;
	s2 =	sadd.s32 $0x470, s2  }
0x3f: {  	[hbm4b:s2+s1] =	stream.strided.scatter [tilespmem:s30], [sflag:$0x2], $0x400, s3, s1, $0x38;
	[tilespmem:$0x4080] =	vst v63  }
0x40: {  	_ =	swait.ge [sflag:s31], $0x4000  }
0x41: {  	[sflag:s31] =	ssyncset.done $0x0  }
0x42: {  	[sflag:s31] =	ssyncadd.s32 $0xFFFFC000  }
0x43: {  	_ =	sfence.sel $0x180000  }
0x44: {  	[bflag:$0x0] =	sbarrier.arrive $0xFFFF  }
0x45: {  	_ =	strace $0x90000047  }
0x46: {  	s0 =	sadd.s32 $0x100000, s0;
	[bflag:$0x2] =	sbarrier.arrive $0xFFFF  }
0x47: {  	[sflag:s0] =	ssyncadd.tile.s32 $0x1;
	_ =	shalt  }
.Lfunc_end2:
_tile_overlayer_lowered:
.L_overlay_start_2:
0x48: {  	(tag) =	ssettag $0x2  }
0x49: {  	s0 =	rddreg [dreg:$0x0];
	s2 =	stileid.u32  }
0x4a: {  	s1 =	rddreg [dreg:$0x1];
	p0 =	sne.s32 s2, $0x0  }
0x4b: {  	s3 =	rddreg [dreg:$0x2];
	[bflag:$0x3] =	sbarrier.arrive $0xFFFF;
	s2 =	simm.s32 @!p0 $0x1C02  }
0x4c: {  	[timem:s3], [sflag:s2] =	dma.local @!p0 [hbm:s0], s1  }
0x4d: {  	s0 =	simm.s32 @!p0 $0x2  }
0x4e: {  	_ =	swait.ge @!p0 [sflag:s0], s1  }
0x4f: {  	s1 =	ssub.s32 @!p0 $0x0, s1;
	[sflag:s0] =	ssyncset.done @!p0 $0x0  }
0x50: {  	[sflag:s0] =	ssyncadd.s32 @!p0 s1  }
0x51: {  	[bflag:$0x3] =	sbarrier.arrive $0xFFFF  }
0x52: {  	_ =	shalt  }

</sc_bundles>
